<compile_context>
chip_gen: v7x
topology: tpu7x:2x2x1
jax: 0.10.2.dev20260603
libtpu: 0.0.44.dev20260713+nightly
codegen_flags: <defaults>
</compile_context>

<pallas_src>
import jax
import jax.numpy as jnp
from jax import lax
from jax.experimental import pallas as pl
from jax.experimental.pallas import tpu as pltpu
from jax.experimental.pallas import tpu_sc as plsc

_B, _H, _W = 16, 2048, 2048
_P = 128
_L = 16


def _probe_body(x_hbm, out_hbm, idx_v, val_v, sem0):
    b = lax.axis_index("s")
    boff = b * (_H * _W)
    lane = lax.iota(jnp.int32, _L)
    for i in range(_P // _L):
        p = lane + (i * _L)
        c = p * 16
        y = p * 5 + 11
        idx_v[pl.ds(i * _L, _L)] = (
            boff
            + (y >> 3) * (8 * _W)
            + (y & 7) * 128
            + (c >> 7) * 1024
            + (c & 127)
        )
    pltpu.async_copy(x_hbm.at[idx_v], val_v, sem0).wait()
    pltpu.sync_copy(val_v, out_hbm.at[b])


def kernel(x, probe_x, probe_y):
    del probe_x, probe_y
    mesh = plsc.VectorSubcoreMesh(
        core_axis_name="c", subcore_axis_name="s", num_cores=1
    )
    k = pl.kernel(
        _probe_body,
        mesh=mesh,
        out_type=jax.ShapeDtypeStruct((_B, _P), jnp.float32),
        scratch_types=[
            pltpu.VMEM((_P,), jnp.int32),
            pltpu.VMEM((_P,), jnp.float32),
            pltpu.SemaphoreType.DMA,
        ],
        compiler_params=pltpu.CompilerParams(
            skip_device_barrier=True,
            disable_semaphore_checks=True,
        ),
    )
    xv = (
        x.reshape(_B, _H // 8, 8, _W // 128, 128)
        .transpose(0, 1, 3, 2, 4)
        .reshape(_B * _H * _W)
    )
    return k(xv)

# --- scband reference (transcript-rebuilt; emitter-appended) ---
"""Pipeline reference for scband-wave-probe-73409581023676 (READ-ONLY COPY).

The authoritative reference and input builder live on the scoring server;
editing this copy changes nothing except your own understanding.
"""

import jax, jax.numpy as jnp
import numpy as np


def setup_inputs(seed: int = 0) -> dict:
    key = jax.random.key(seed)
    x = jax.random.normal(key, (16, 2048, 2048), dtype=jnp.float32)
    # Probe coordinate buffers (registered int64 buffers in the torch module).
    probe_x = (jnp.arange(128, dtype=jnp.int32) * 16).astype(jnp.int32)
    probe_y = (jnp.arange(128, dtype=jnp.int32) * 5 + 11).astype(jnp.int32)
    return {"x": x, "probe_x": probe_x, "probe_y": probe_y}


def reference(x, probe_x, probe_y):
    # WaveProbe.forward2d with 1-D coord buffers: x[:, self.y, self.x]
    # Advanced indexing -> gather of P probe points per batch element: [B, P]
    return x[:, probe_y, probe_x]

if __name__ == "__main__":
    import jax
    _d = setup_inputs()
    print(jax.jit(kernel)(*tuple(_d.values())))

</pallas_src>

<mosaic_0001>
#map = affine_map<(d0, d1) -> (0)>
#map1 = affine_map<(d0, d1) -> (0, 0)>
module attributes {stable_mosaic.version = 14 : i64} {
  func.func @_probe_body(%arg0: i32, %arg1: i32, %arg2: memref<67108864xf32, #tpu.memory_space<hbm>>, %arg3: memref<16x128xf32, #tpu.memory_space<hbm>>, %arg4: memref<128xi32, #tpu.memory_space<vmem>>, %arg5: memref<128xf32, #tpu.memory_space<vmem>>, %arg6: memref<!tpu.dma_semaphore, #tpu.memory_space<semaphore_mem>>) attributes {dimension_semantics = [#tpu.dimension_semantics<core_parallel>, #tpu.dimension_semantics<subcore_parallel>], iteration_bounds = array<i64: 1, 16>, scalar_prefetch = 0 : i64, scratch_operands = 3 : i64, tpu.core_type = #tpu.core_type<sc_vector_subcore>, window_params = [{transform_indices = #map}, {transform_indices = #map1}]} {
    %mul3A = arith.constant 4194304 : i32
    %mul3A_0 = arith.muli %arg1, %mul3A : i32
    %iota3A = tpu.iota {dimensions = array<i32: 0>} : vector<16xi32>
    %add3A = arith.constant 0 : i32
    %add3A_1 = vector.broadcast %add3A : i32 to vector<16xi32>
    %add3A_2 = arith.addi %iota3A, %add3A_1 : vector<16xi32>
    %mul3A_3 = arith.constant 16 : i32
    %mul3A_4 = vector.broadcast %mul3A_3 : i32 to vector<16xi32>
    %mul3A_5 = arith.muli %add3A_2, %mul3A_4 : vector<16xi32>
    %mul3A_6 = arith.constant 5 : i32
    %mul3A_7 = vector.broadcast %mul3A_6 : i32 to vector<16xi32>
    %mul3A_8 = arith.muli %add3A_2, %mul3A_7 : vector<16xi32>
    %add3A_9 = arith.constant 11 : i32
    %add3A_10 = vector.broadcast %add3A_9 : i32 to vector<16xi32>
    %add3A_11 = arith.addi %mul3A_8, %add3A_10 : vector<16xi32>
    %shift_right_arithmetic3A = arith.constant 3 : i32
    %shift_right_arithmetic3A_12 = vector.broadcast %shift_right_arithmetic3A : i32 to vector<16xi32>
    %shift_right_arithmetic3A_13 = arith.shrsi %add3A_11, %shift_right_arithmetic3A_12 : vector<16xi32>
    %mul3A_14 = arith.constant 16384 : i32
    %mul3A_15 = vector.broadcast %mul3A_14 : i32 to vector<16xi32>
    %mul3A_16 = arith.muli %shift_right_arithmetic3A_13, %mul3A_15 : vector<16xi32>
    %add3A_17 = vector.broadcast %mul3A_0 : i32 to vector<16xi32>
    %add3A_18 = arith.addi %add3A_17, %mul3A_16 : vector<16xi32>
    %and3A = arith.constant 7 : i32
    %and3A_19 = vector.broadcast %and3A : i32 to vector<16xi32>
    %and3A_20 = arith.andi %add3A_11, %and3A_19 : vector<16xi32>
    %mul3A_21 = arith.constant 128 : i32
    %mul3A_22 = vector.broadcast %mul3A_21 : i32 to vector<16xi32>
    %mul3A_23 = arith.muli %and3A_20, %mul3A_22 : vector<16xi32>
    %add3A_24 = arith.addi %add3A_18, %mul3A_23 : vector<16xi32>
    %shift_right_arithmetic3A_25 = arith.constant 7 : i32
    %shift_right_arithmetic3A_26 = vector.broadcast %shift_right_arithmetic3A_25 : i32 to vector<16xi32>
    %shift_right_arithmetic3A_27 = arith.shrsi %mul3A_5, %shift_right_arithmetic3A_26 : vector<16xi32>
    %mul3A_28 = arith.constant 1024 : i32
    %mul3A_29 = vector.broadcast %mul3A_28 : i32 to vector<16xi32>
    %mul3A_30 = arith.muli %shift_right_arithmetic3A_27, %mul3A_29 : vector<16xi32>
    %add3A_31 = arith.addi %add3A_24, %mul3A_30 : vector<16xi32>
    %and3A_32 = arith.constant 127 : i32
    %and3A_33 = vector.broadcast %and3A_32 : i32 to vector<16xi32>
    %and3A_34 = arith.andi %mul3A_5, %and3A_33 : vector<16xi32>
    %add3A_35 = arith.addi %add3A_31, %and3A_34 : vector<16xi32>
    %swap3A = arith.constant 0 : index
    %swap3A_36 = tpu.vector_load %arg4[%swap3A] {strides = array<i32>} : memref<128xi32, #tpu.memory_space<vmem>>, vector<16xi32>,
    %swap3A_37 = vector.shape_cast %swap3A_36 : vector<16xi32> to vector<16xi32>
    %swap3A_38 = vector.shape_cast %add3A_35 : vector<16xi32> to vector<16xi32>
    tpu.vector_store %arg4[%swap3A], %swap3A_38 {strides = array<i32>} : memref<128xi32, #tpu.memory_space<vmem>>, vector<16xi32>,
    %add3A_39 = arith.constant 16 : i32
    %add3A_40 = vector.broadcast %add3A_39 : i32 to vector<16xi32>
    %add3A_41 = arith.addi %iota3A, %add3A_40 : vector<16xi32>
    %mul3A_42 = arith.constant 16 : i32
    %mul3A_43 = vector.broadcast %mul3A_42 : i32 to vector<16xi32>
    %mul3A_44 = arith.muli %add3A_41, %mul3A_43 : vector<16xi32>
    %mul3A_45 = arith.constant 5 : i32
    %mul3A_46 = vector.broadcast %mul3A_45 : i32 to vector<16xi32>
    %mul3A_47 = arith.muli %add3A_41, %mul3A_46 : vector<16xi32>
    %add3A_48 = arith.constant 11 : i32
    %add3A_49 = vector.broadcast %add3A_48 : i32 to vector<16xi32>
    %add3A_50 = arith.addi %mul3A_47, %add3A_49 : vector<16xi32>
    %shift_right_arithmetic3A_51 = arith.constant 3 : i32
    %shift_right_arithmetic3A_52 = vector.broadcast %shift_right_arithmetic3A_51 : i32 to vector<16xi32>
    %shift_right_arithmetic3A_53 = arith.shrsi %add3A_50, %shift_right_arithmetic3A_52 : vector<16xi32>
    %mul3A_54 = arith.constant 16384 : i32
    %mul3A_55 = vector.broadcast %mul3A_54 : i32 to vector<16xi32>
    %mul3A_56 = arith.muli %shift_right_arithmetic3A_53, %mul3A_55 : vector<16xi32>
    %add3A_57 = vector.broadcast %mul3A_0 : i32 to vector<16xi32>
    %add3A_58 = arith.addi %add3A_57, %mul3A_56 : vector<16xi32>
    %and3A_59 = arith.constant 7 : i32
    %and3A_60 = vector.broadcast %and3A_59 : i32 to vector<16xi32>
    %and3A_61 = arith.andi %add3A_50, %and3A_60 : vector<16xi32>
    %mul3A_62 = arith.constant 128 : i32
    %mul3A_63 = vector.broadcast %mul3A_62 : i32 to vector<16xi32>
    %mul3A_64 = arith.muli %and3A_61, %mul3A_63 : vector<16xi32>
    %add3A_65 = arith.addi %add3A_58, %mul3A_64 : vector<16xi32>
    %shift_right_arithmetic3A_66 = arith.constant 7 : i32
    %shift_right_arithmetic3A_67 = vector.broadcast %shift_right_arithmetic3A_66 : i32 to vector<16xi32>
    %shift_right_arithmetic3A_68 = arith.shrsi %mul3A_44, %shift_right_arithmetic3A_67 : vector<16xi32>
    %mul3A_69 = arith.constant 1024 : i32
    %mul3A_70 = vector.broadcast %mul3A_69 : i32 to vector<16xi32>
    %mul3A_71 = arith.muli %shift_right_arithmetic3A_68, %mul3A_70 : vector<16xi32>
    %add3A_72 = arith.addi %add3A_65, %mul3A_71 : vector<16xi32>
    %and3A_73 = arith.constant 127 : i32
    %and3A_74 = vector.broadcast %and3A_73 : i32 to vector<16xi32>
    %and3A_75 = arith.andi %mul3A_44, %and3A_74 : vector<16xi32>
    %add3A_76 = arith.addi %add3A_72, %and3A_75 : vector<16xi32>
    %swap3A_77 = arith.constant 16 : index
    %swap3A_78 = tpu.vector_load %arg4[%swap3A_77] {strides = array<i32>} : memref<128xi32, #tpu.memory_space<vmem>>, vector<16xi32>,
    %swap3A_79 = vector.shape_cast %swap3A_78 : vector<16xi32> to vector<16xi32>
    %swap3A_80 = vector.shape_cast %add3A_76 : vector<16xi32> to vector<16xi32>
    tpu.vector_store %arg4[%swap3A_77], %swap3A_80 {strides = array<i32>} : memref<128xi32, #tpu.memory_space<vmem>>, vector<16xi32>,
    %add3A_81 = arith.constant 32 : i32
    %add3A_82 = vector.broadcast %add3A_81 : i32 to vector<16xi32>
    %add3A_83 = arith.addi %iota3A, %add3A_82 : vector<16xi32>
    %mul3A_84 = arith.constant 16 : i32
    %mul3A_85 = vector.broadcast %mul3A_84 : i32 to vector<16xi32>
    %mul3A_86 = arith.muli %add3A_83, %mul3A_85 : vector<16xi32>
    %mul3A_87 = arith.constant 5 : i32
    %mul3A_88 = vector.broadcast %mul3A_87 : i32 to vector<16xi32>
    %mul3A_89 = arith.muli %add3A_83, %mul3A_88 : vector<16xi32>
    %add3A_90 = arith.constant 11 : i32
    %add3A_91 = vector.broadcast %add3A_90 : i32 to vector<16xi32>
    %add3A_92 = arith.addi %mul3A_89, %add3A_91 : vector<16xi32>
    %shift_right_arithmetic3A_93 = arith.constant 3 : i32
    %shift_right_arithmetic3A_94 = vector.broadcast %shift_right_arithmetic3A_93 : i32 to vector<16xi32>
    %shift_right_arithmetic3A_95 = arith.shrsi %add3A_92, %shift_right_arithmetic3A_94 : vector<16xi32>
    %mul3A_96 = arith.constant 16384 : i32
    %mul3A_97 = vector.broadcast %mul3A_96 : i32 to vector<16xi32>
    %mul3A_98 = arith.muli %shift_right_arithmetic3A_95, %mul3A_97 : vector<16xi32>
    %add3A_99 = vector.broadcast %mul3A_0 : i32 to vector<16xi32>
    %add3A_100 = arith.addi %add3A_99, %mul3A_98 : vector<16xi32>
    %and3A_101 = arith.constant 7 : i32
    %and3A_102 = vector.broadcast %and3A_101 : i32 to vector<16xi32>
    %and3A_103 = arith.andi %add3A_92, %and3A_102 : vector<16xi32>
    %mul3A_104 = arith.constant 128 : i32
    %mul3A_105 = vector.broadcast %mul3A_104 : i32 to vector<16xi32>
    %mul3A_106 = arith.muli %and3A_103, %mul3A_105 : vector<16xi32>
    %add3A_107 = arith.addi %add3A_100, %mul3A_106 : vector<16xi32>
    %shift_right_arithmetic3A_108 = arith.constant 7 : i32
    %shift_right_arithmetic3A_109 = vector.broadcast %shift_right_arithmetic3A_108 : i32 to vector<16xi32>
    %shift_right_arithmetic3A_110 = arith.shrsi %mul3A_86, %shift_right_arithmetic3A_109 : vector<16xi32>
    %mul3A_111 = arith.constant 1024 : i32
    %mul3A_112 = vector.broadcast %mul3A_111 : i32 to vector<16xi32>
    %mul3A_113 = arith.muli %shift_right_arithmetic3A_110, %mul3A_112 : vector<16xi32>
    %add3A_114 = arith.addi %add3A_107, %mul3A_113 : vector<16xi32>
    %and3A_115 = arith.constant 127 : i32
    %and3A_116 = vector.broadcast %and3A_115 : i32 to vector<16xi32>
    %and3A_117 = arith.andi %mul3A_86, %and3A_116 : vector<16xi32>
    %add3A_118 = arith.addi %add3A_114, %and3A_117 : vector<16xi32>
    %swap3A_119 = arith.constant 32 : index
    %swap3A_120 = tpu.vector_load %arg4[%swap3A_119] {strides = array<i32>} : memref<128xi32, #tpu.memory_space<vmem>>, vector<16xi32>,
    %swap3A_121 = vector.shape_cast %swap3A_120 : vector<16xi32> to vector<16xi32>
    %swap3A_122 = vector.shape_cast %add3A_118 : vector<16xi32> to vector<16xi32>
    tpu.vector_store %arg4[%swap3A_119], %swap3A_122 {strides = array<i32>} : memref<128xi32, #tpu.memory_space<vmem>>, vector<16xi32>,
    %add3A_123 = arith.constant 48 : i32
    %add3A_124 = vector.broadcast %add3A_123 : i32 to vector<16xi32>
    %add3A_125 = arith.addi %iota3A, %add3A_124 : vector<16xi32>
    %mul3A_126 = arith.constant 16 : i32
    %mul3A_127 = vector.broadcast %mul3A_126 : i32 to vector<16xi32>
    %mul3A_128 = arith.muli %add3A_125, %mul3A_127 : vector<16xi32>
    %mul3A_129 = arith.constant 5 : i32
    %mul3A_130 = vector.broadcast %mul3A_129 : i32 to vector<16xi32>
    %mul3A_131 = arith.muli %add3A_125, %mul3A_130 : vector<16xi32>
    %add3A_132 = arith.constant 11 : i32
    %add3A_133 = vector.broadcast %add3A_132 : i32 to vector<16xi32>
    %add3A_134 = arith.addi %mul3A_131, %add3A_133 : vector<16xi32>
    %shift_right_arithmetic3A_135 = arith.constant 3 : i32
    %shift_right_arithmetic3A_136 = vector.broadcast %shift_right_arithmetic3A_135 : i32 to vector<16xi32>
    %shift_right_arithmetic3A_137 = arith.shrsi %add3A_134, %shift_right_arithmetic3A_136 : vector<16xi32>
    %mul3A_138 = arith.constant 16384 : i32
    %mul3A_139 = vector.broadcast %mul3A_138 : i32 to vector<16xi32>
    %mul3A_140 = arith.muli %shift_right_arithmetic3A_137, %mul3A_139 : vector<16xi32>
    %add3A_141 = vector.broadcast %mul3A_0 : i32 to vector<16xi32>
    %add3A_142 = arith.addi %add3A_141, %mul3A_140 : vector<16xi32>
    %and3A_143 = arith.constant 7 : i32
    %and3A_144 = vector.broadcast %and3A_143 : i32 to vector<16xi32>
    %and3A_145 = arith.andi %add3A_134, %and3A_144 : vector<16xi32>
    %mul3A_146 = arith.constant 128 : i32
    %mul3A_147 = vector.broadcast %mul3A_146 : i32 to vector<16xi32>
    %mul3A_148 = arith.muli %and3A_145, %mul3A_147 : vector<16xi32>
    %add3A_149 = arith.addi %add3A_142, %mul3A_148 : vector<16xi32>
    %shift_right_arithmetic3A_150 = arith.constant 7 : i32
    %shift_right_arithmetic3A_151 = vector.broadcast %shift_right_arithmetic3A_150 : i32 to vector<16xi32>
    %shift_right_arithmetic3A_152 = arith.shrsi %mul3A_128, %shift_right_arithmetic3A_151 : vector<16xi32>
    %mul3A_153 = arith.constant 1024 : i32
    %mul3A_154 = vector.broadcast %mul3A_153 : i32 to vector<16xi32>
    %mul3A_155 = arith.muli %shift_right_arithmetic3A_152, %mul3A_154 : vector<16xi32>
    %add3A_156 = arith.addi %add3A_149, %mul3A_155 : vector<16xi32>
    %and3A_157 = arith.constant 127 : i32
    %and3A_158 = vector.broadcast %and3A_157 : i32 to vector<16xi32>
    %and3A_159 = arith.andi %mul3A_128, %and3A_158 : vector<16xi32>
    %add3A_160 = arith.addi %add3A_156, %and3A_159 : vector<16xi32>
    %swap3A_161 = arith.constant 48 : index
    %swap3A_162 = tpu.vector_load %arg4[%swap3A_161] {strides = array<i32>} : memref<128xi32, #tpu.memory_space<vmem>>, vector<16xi32>,
    %swap3A_163 = vector.shape_cast %swap3A_162 : vector<16xi32> to vector<16xi32>
    %swap3A_164 = vector.shape_cast %add3A_160 : vector<16xi32> to vector<16xi32>
    tpu.vector_store %arg4[%swap3A_161], %swap3A_164 {strides = array<i32>} : memref<128xi32, #tpu.memory_space<vmem>>, vector<16xi32>,
    %add3A_165 = arith.constant 64 : i32
    %add3A_166 = vector.broadcast %add3A_165 : i32 to vector<16xi32>
    %add3A_167 = arith.addi %iota3A, %add3A_166 : vector<16xi32>
    %mul3A_168 = arith.constant 16 : i32
    %mul3A_169 = vector.broadcast %mul3A_168 : i32 to vector<16xi32>
    %mul3A_170 = arith.muli %add3A_167, %mul3A_169 : vector<16xi32>
    %mul3A_171 = arith.constant 5 : i32
    %mul3A_172 = vector.broadcast %mul3A_171 : i32 to vector<16xi32>
    %mul3A_173 = arith.muli %add3A_167, %mul3A_172 : vector<16xi32>
    %add3A_174 = arith.constant 11 : i32
    %add3A_175 = vector.broadcast %add3A_174 : i32 to vector<16xi32>
    %add3A_176 = arith.addi %mul3A_173, %add3A_175 : vector<16xi32>
    %shift_right_arithmetic3A_177 = arith.constant 3 : i32
    %shift_right_arithmetic3A_178 = vector.broadcast %shift_right_arithmetic3A_177 : i32 to vector<16xi32>
    %shift_right_arithmetic3A_179 = arith.shrsi %add3A_176, %shift_right_arithmetic3A_178 : vector<16xi32>
    %mul3A_180 = arith.constant 16384 : i32
    %mul3A_181 = vector.broadcast %mul3A_180 : i32 to vector<16xi32>
    %mul3A_182 = arith.muli %shift_right_arithmetic3A_179, %mul3A_181 : vector<16xi32>
    %add3A_183 = vector.broadcast %mul3A_0 : i32 to vector<16xi32>
    %add3A_184 = arith.addi %add3A_183, %mul3A_182 : vector<16xi32>
    %and3A_185 = arith.constant 7 : i32
    %and3A_186 = vector.broadcast %and3A_185 : i32 to vector<16xi32>
    %and3A_187 = arith.andi %add3A_176, %and3A_186 : vector<16xi32>
    %mul3A_188 = arith.constant 128 : i32
    %mul3A_189 = vector.broadcast %mul3A_188 : i32 to vector<16xi32>
    %mul3A_190 = arith.muli %and3A_187, %mul3A_189 : vector<16xi32>
    %add3A_191 = arith.addi %add3A_184, %mul3A_190 : vector<16xi32>
    %shift_right_arithmetic3A_192 = arith.constant 7 : i32
    %shift_right_arithmetic3A_193 = vector.broadcast %shift_right_arithmetic3A_192 : i32 to vector<16xi32>
    %shift_right_arithmetic3A_194 = arith.shrsi %mul3A_170, %shift_right_arithmetic3A_193 : vector<16xi32>
    %mul3A_195 = arith.constant 1024 : i32
    %mul3A_196 = vector.broadcast %mul3A_195 : i32 to vector<16xi32>
    %mul3A_197 = arith.muli %shift_right_arithmetic3A_194, %mul3A_196 : vector<16xi32>
    %add3A_198 = arith.addi %add3A_191, %mul3A_197 : vector<16xi32>
    %and3A_199 = arith.constant 127 : i32
    %and3A_200 = vector.broadcast %and3A_199 : i32 to vector<16xi32>
    %and3A_201 = arith.andi %mul3A_170, %and3A_200 : vector<16xi32>
    %add3A_202 = arith.addi %add3A_198, %and3A_201 : vector<16xi32>
    %swap3A_203 = arith.constant 64 : index
    %swap3A_204 = tpu.vector_load %arg4[%swap3A_203] {strides = array<i32>} : memref<128xi32, #tpu.memory_space<vmem>>, vector<16xi32>,
    %swap3A_205 = vector.shape_cast %swap3A_204 : vector<16xi32> to vector<16xi32>
    %swap3A_206 = vector.shape_cast %add3A_202 : vector<16xi32> to vector<16xi32>
    tpu.vector_store %arg4[%swap3A_203], %swap3A_206 {strides = array<i32>} : memref<128xi32, #tpu.memory_space<vmem>>, vector<16xi32>,
    %add3A_207 = arith.constant 80 : i32
    %add3A_208 = vector.broadcast %add3A_207 : i32 to vector<16xi32>
    %add3A_209 = arith.addi %iota3A, %add3A_208 : vector<16xi32>
    %mul3A_210 = arith.constant 16 : i32
    %mul3A_211 = vector.broadcast %mul3A_210 : i32 to vector<16xi32>
    %mul3A_212 = arith.muli %add3A_209, %mul3A_211 : vector<16xi32>
    %mul3A_213 = arith.constant 5 : i32
    %mul3A_214 = vector.broadcast %mul3A_213 : i32 to vector<16xi32>
    %mul3A_215 = arith.muli %add3A_209, %mul3A_214 : vector<16xi32>
    %add3A_216 = arith.constant 11 : i32
    %add3A_217 = vector.broadcast %add3A_216 : i32 to vector<16xi32>
    %add3A_218 = arith.addi %mul3A_215, %add3A_217 : vector<16xi32>
    %shift_right_arithmetic3A_219 = arith.constant 3 : i32
    %shift_right_arithmetic3A_220 = vector.broadcast %shift_right_arithmetic3A_219 : i32 to vector<16xi32>
    %shift_right_arithmetic3A_221 = arith.shrsi %add3A_218, %shift_right_arithmetic3A_220 : vector<16xi32>
    %mul3A_222 = arith.constant 16384 : i32
    %mul3A_223 = vector.broadcast %mul3A_222 : i32 to vector<16xi32>
    %mul3A_224 = arith.muli %shift_right_arithmetic3A_221, %mul3A_223 : vector<16xi32>
    %add3A_225 = vector.broadcast %mul3A_0 : i32 to vector<16xi32>
    %add3A_226 = arith.addi %add3A_225, %mul3A_224 : vector<16xi32>
    %and3A_227 = arith.constant 7 : i32
    %and3A_228 = vector.broadcast %and3A_227 : i32 to vector<16xi32>
    %and3A_229 = arith.andi %add3A_218, %and3A_228 : vector<16xi32>
    %mul3A_230 = arith.constant 128 : i32
    %mul3A_231 = vector.broadcast %mul3A_230 : i32 to vector<16xi32>
    %mul3A_232 = arith.muli %and3A_229, %mul3A_231 : vector<16xi32>
    %add3A_233 = arith.addi %add3A_226, %mul3A_232 : vector<16xi32>
    %shift_right_arithmetic3A_234 = arith.constant 7 : i32
    %shift_right_arithmetic3A_235 = vector.broadcast %shift_right_arithmetic3A_234 : i32 to vector<16xi32>
    %shift_right_arithmetic3A_236 = arith.shrsi %mul3A_212, %shift_right_arithmetic3A_235 : vector<16xi32>
    %mul3A_237 = arith.constant 1024 : i32
    %mul3A_238 = vector.broadcast %mul3A_237 : i32 to vector<16xi32>
    %mul3A_239 = arith.muli %shift_right_arithmetic3A_236, %mul3A_238 : vector<16xi32>
    %add3A_240 = arith.addi %add3A_233, %mul3A_239 : vector<16xi32>
    %and3A_241 = arith.constant 127 : i32
    %and3A_242 = vector.broadcast %and3A_241 : i32 to vector<16xi32>
    %and3A_243 = arith.andi %mul3A_212, %and3A_242 : vector<16xi32>
    %add3A_244 = arith.addi %add3A_240, %and3A_243 : vector<16xi32>
    %swap3A_245 = arith.constant 80 : index
    %swap3A_246 = tpu.vector_load %arg4[%swap3A_245] {strides = array<i32>} : memref<128xi32, #tpu.memory_space<vmem>>, vector<16xi32>,
    %swap3A_247 = vector.shape_cast %swap3A_246 : vector<16xi32> to vector<16xi32>
    %swap3A_248 = vector.shape_cast %add3A_244 : vector<16xi32> to vector<16xi32>
    tpu.vector_store %arg4[%swap3A_245], %swap3A_248 {strides = array<i32>} : memref<128xi32, #tpu.memory_space<vmem>>, vector<16xi32>,
    %add3A_249 = arith.constant 96 : i32
    %add3A_250 = vector.broadcast %add3A_249 : i32 to vector<16xi32>
    %add3A_251 = arith.addi %iota3A, %add3A_250 : vector<16xi32>
    %mul3A_252 = arith.constant 16 : i32
    %mul3A_253 = vector.broadcast %mul3A_252 : i32 to vector<16xi32>
    %mul3A_254 = arith.muli %add3A_251, %mul3A_253 : vector<16xi32>
    %mul3A_255 = arith.constant 5 : i32
    %mul3A_256 = vector.broadcast %mul3A_255 : i32 to vector<16xi32>
    %mul3A_257 = arith.muli %add3A_251, %mul3A_256 : vector<16xi32>
    %add3A_258 = arith.constant 11 : i32
    %add3A_259 = vector.broadcast %add3A_258 : i32 to vector<16xi32>
    %add3A_260 = arith.addi %mul3A_257, %add3A_259 : vector<16xi32>
    %shift_right_arithmetic3A_261 = arith.constant 3 : i32
    %shift_right_arithmetic3A_262 = vector.broadcast %shift_right_arithmetic3A_261 : i32 to vector<16xi32>
    %shift_right_arithmetic3A_263 = arith.shrsi %add3A_260, %shift_right_arithmetic3A_262 : vector<16xi32>
    %mul3A_264 = arith.constant 16384 : i32
    %mul3A_265 = vector.broadcast %mul3A_264 : i32 to vector<16xi32>
    %mul3A_266 = arith.muli %shift_right_arithmetic3A_263, %mul3A_265 : vector<16xi32>
    %add3A_267 = vector.broadcast %mul3A_0 : i32 to vector<16xi32>
    %add3A_268 = arith.addi %add3A_267, %mul3A_266 : vector<16xi32>
    %and3A_269 = arith.constant 7 : i32
    %and3A_270 = vector.broadcast %and3A_269 : i32 to vector<16xi32>
    %and3A_271 = arith.andi %add3A_260, %and3A_270 : vector<16xi32>
    %mul3A_272 = arith.constant 128 : i32
    %mul3A_273 = vector.broadcast %mul3A_272 : i32 to vector<16xi32>
    %mul3A_274 = arith.muli %and3A_271, %mul3A_273 : vector<16xi32>
    %add3A_275 = arith.addi %add3A_268, %mul3A_274 : vector<16xi32>
    %shift_right_arithmetic3A_276 = arith.constant 7 : i32
    %shift_right_arithmetic3A_277 = vector.broadcast %shift_right_arithmetic3A_276 : i32 to vector<16xi32>
    %shift_right_arithmetic3A_278 = arith.shrsi %mul3A_254, %shift_right_arithmetic3A_277 : vector<16xi32>
    %mul3A_279 = arith.constant 1024 : i32
    %mul3A_280 = vector.broadcast %mul3A_279 : i32 to vector<16xi32>
    %mul3A_281 = arith.muli %shift_right_arithmetic3A_278, %mul3A_280 : vector<16xi32>
    %add3A_282 = arith.addi %add3A_275, %mul3A_281 : vector<16xi32>
    %and3A_283 = arith.constant 127 : i32
    %and3A_284 = vector.broadcast %and3A_283 : i32 to vector<16xi32>
    %and3A_285 = arith.andi %mul3A_254, %and3A_284 : vector<16xi32>
    %add3A_286 = arith.addi %add3A_282, %and3A_285 : vector<16xi32>
    %swap3A_287 = arith.constant 96 : index
    %swap3A_288 = tpu.vector_load %arg4[%swap3A_287] {strides = array<i32>} : memref<128xi32, #tpu.memory_space<vmem>>, vector<16xi32>,
    %swap3A_289 = vector.shape_cast %swap3A_288 : vector<16xi32> to vector<16xi32>
    %swap3A_290 = vector.shape_cast %add3A_286 : vector<16xi32> to vector<16xi32>
    tpu.vector_store %arg4[%swap3A_287], %swap3A_290 {strides = array<i32>} : memref<128xi32, #tpu.memory_space<vmem>>, vector<16xi32>,
    %add3A_291 = arith.constant 112 : i32
    %add3A_292 = vector.broadcast %add3A_291 : i32 to vector<16xi32>
    %add3A_293 = arith.addi %iota3A, %add3A_292 : vector<16xi32>
    %mul3A_294 = arith.constant 16 : i32
    %mul3A_295 = vector.broadcast %mul3A_294 : i32 to vector<16xi32>
    %mul3A_296 = arith.muli %add3A_293, %mul3A_295 : vector<16xi32>
    %mul3A_297 = arith.constant 5 : i32
    %mul3A_298 = vector.broadcast %mul3A_297 : i32 to vector<16xi32>
    %mul3A_299 = arith.muli %add3A_293, %mul3A_298 : vector<16xi32>
    %add3A_300 = arith.constant 11 : i32
    %add3A_301 = vector.broadcast %add3A_300 : i32 to vector<16xi32>
    %add3A_302 = arith.addi %mul3A_299, %add3A_301 : vector<16xi32>
    %shift_right_arithmetic3A_303 = arith.constant 3 : i32
    %shift_right_arithmetic3A_304 = vector.broadcast %shift_right_arithmetic3A_303 : i32 to vector<16xi32>
    %shift_right_arithmetic3A_305 = arith.shrsi %add3A_302, %shift_right_arithmetic3A_304 : vector<16xi32>
    %mul3A_306 = arith.constant 16384 : i32
    %mul3A_307 = vector.broadcast %mul3A_306 : i32 to vector<16xi32>
    %mul3A_308 = arith.muli %shift_right_arithmetic3A_305, %mul3A_307 : vector<16xi32>
    %add3A_309 = vector.broadcast %mul3A_0 : i32 to vector<16xi32>
    %add3A_310 = arith.addi %add3A_309, %mul3A_308 : vector<16xi32>
    %and3A_311 = arith.constant 7 : i32
    %and3A_312 = vector.broadcast %and3A_311 : i32 to vector<16xi32>
    %and3A_313 = arith.andi %add3A_302, %and3A_312 : vector<16xi32>
    %mul3A_314 = arith.constant 128 : i32
    %mul3A_315 = vector.broadcast %mul3A_314 : i32 to vector<16xi32>
    %mul3A_316 = arith.muli %and3A_313, %mul3A_315 : vector<16xi32>
    %add3A_317 = arith.addi %add3A_310, %mul3A_316 : vector<16xi32>
    %shift_right_arithmetic3A_318 = arith.constant 7 : i32
    %shift_right_arithmetic3A_319 = vector.broadcast %shift_right_arithmetic3A_318 : i32 to vector<16xi32>
    %shift_right_arithmetic3A_320 = arith.shrsi %mul3A_296, %shift_right_arithmetic3A_319 : vector<16xi32>
    %mul3A_321 = arith.constant 1024 : i32
    %mul3A_322 = vector.broadcast %mul3A_321 : i32 to vector<16xi32>
    %mul3A_323 = arith.muli %shift_right_arithmetic3A_320, %mul3A_322 : vector<16xi32>
    %add3A_324 = arith.addi %add3A_317, %mul3A_323 : vector<16xi32>
    %and3A_325 = arith.constant 127 : i32
    %and3A_326 = vector.broadcast %and3A_325 : i32 to vector<16xi32>
    %and3A_327 = arith.andi %mul3A_296, %and3A_326 : vector<16xi32>
    %add3A_328 = arith.addi %add3A_324, %and3A_327 : vector<16xi32>
    %swap3A_329 = arith.constant 112 : index
    %swap3A_330 = tpu.vector_load %arg4[%swap3A_329] {strides = array<i32>} : memref<128xi32, #tpu.memory_space<vmem>>, vector<16xi32>,
    %swap3A_331 = vector.shape_cast %swap3A_330 : vector<16xi32> to vector<16xi32>
    %swap3A_332 = vector.shape_cast %add3A_328 : vector<16xi32> to vector<16xi32>
    tpu.vector_store %arg4[%swap3A_329], %swap3A_332 {strides = array<i32>} : memref<128xi32, #tpu.memory_space<vmem>>, vector<16xi32>,
    %dma_start3A = arith.constant 0 : i32
    %dma_start3A_333 = tpu.memref_slice %arg2[%dma_start3A] : memref<67108864xf32, #tpu.memory_space<hbm>> -> memref<67108864xf32, #tpu.memory_space<hbm>>
    tpu.enqueue_indirect_dma source(%dma_start3A_333 : memref<67108864xf32, #tpu.memory_space<hbm>>) target(%arg5 : memref<128xf32, #tpu.memory_space<vmem>>) offsets(%arg4 : memref<128xi32, #tpu.memory_space<vmem>>) semaphore(%arg6 : memref<!tpu.dma_semaphore, #tpu.memory_space<semaphore_mem>>)
    %dma_wait3A = arith.constant 0 : i32
    %dma_wait3A_334 = tpu.memref_slice %arg2[%dma_wait3A] : memref<67108864xf32, #tpu.memory_space<hbm>> -> memref<67108864xf32, #tpu.memory_space<hbm>>
    tpu.wait_indirect_dma semaphore(%arg6 : memref<!tpu.dma_semaphore, #tpu.memory_space<semaphore_mem>>) src(%dma_wait3A_334 : memref<67108864xf32, #tpu.memory_space<hbm>>) dst(%arg5 : memref<128xf32, #tpu.memory_space<vmem>>)
    "tpu.region"() ({
      %run_scoped3A = tpu.sem_alloc : memref<!tpu.dma_semaphore, #tpu.memory_space<semaphore_mem>>
      %dma_start3A_335 = arith.constant 0 : i32
      %dma_start3A_336 = tpu.memref_slice %arg3[%arg1, %dma_start3A_335] : memref<16x128xf32, #tpu.memory_space<hbm>> -> memref<1x128xf32, #tpu.memory_space<hbm>>
      %dma_start3A_337 = tpu.memref_squeeze %dma_start3A_336 : memref<1x128xf32, #tpu.memory_space<hbm>> -> memref<128xf32, #tpu.memory_space<hbm>>
      %dma_start3A_338 = arith.constant 0 : i32
      %dma_start3A_339 = tpu.memref_slice %arg3[%arg1, %dma_start3A_338] : memref<16x128xf32, #tpu.memory_space<hbm>> -> memref<1x128xf32, #tpu.memory_space<hbm>>
      %dma_start3A_340 = tpu.memref_squeeze %dma_start3A_339 : memref<1x128xf32, #tpu.memory_space<hbm>> -> memref<128xf32, #tpu.memory_space<hbm>>
      tpu.enqueue_dma source(%arg5 : memref<128xf32, #tpu.memory_space<vmem>>) target(%dma_start3A_340 : memref<128xf32, #tpu.memory_space<hbm>>) target_semaphore(%run_scoped3A : memref<!tpu.dma_semaphore, #tpu.memory_space<semaphore_mem>>)
      %dma_wait3A_341 = arith.constant 0 : i32
      %dma_wait3A_342 = tpu.memref_slice %arg3[%arg1, %dma_wait3A_341] : memref<16x128xf32, #tpu.memory_space<hbm>> -> memref<1x128xf32, #tpu.memory_space<hbm>>
      %dma_wait3A_343 = tpu.memref_squeeze %dma_wait3A_342 : memref<1x128xf32, #tpu.memory_space<hbm>> -> memref<128xf32, #tpu.memory_space<hbm>>
      %dma_wait3A_344 = arith.constant 0 : i32
      %dma_wait3A_345 = tpu.memref_slice %arg3[%arg1, %dma_wait3A_344] : memref<16x128xf32, #tpu.memory_space<hbm>> -> memref<1x128xf32, #tpu.memory_space<hbm>>
      %dma_wait3A_346 = tpu.memref_squeeze %dma_wait3A_345 : memref<1x128xf32, #tpu.memory_space<hbm>> -> memref<128xf32, #tpu.memory_space<hbm>>
      tpu.wait_dma2 semaphore(%run_scoped3A : memref<!tpu.dma_semaphore, #tpu.memory_space<semaphore_mem>>) src(%arg5 : memref<128xf32, #tpu.memory_space<vmem>>) dst(%dma_wait3A_346 : memref<128xf32, #tpu.memory_space<hbm>>)
      tpu.yield
    }) : () -> ()
    return
  }
}

</mosaic_0001>

<sc_bundles>
// kernel: kernel.3.cloned.1.call-start
scs
__scs_entry_jumppad:
0x0: {  	(pc) =	sbr.rel $0x88, $3  }
0x1: {  	(tag) =	ssettag $0x0;
	lr =	simm.s32 $0x1  }
0x2: {  	[smem:$0x3FA0] =	sst lr;
	_ =	strace $0xD0000000  }
0x3: {  	_ = 	snop  }
0x4: {  	_ = 	snop  }
0x5: {  	_ = 	snop  }
0x6: {  	_ = 	snop  }
0x7: {  	_ = 	snop  }
__scs_overlays_trampoline_lowered:
0x8: {  	[smem:$0x3FAF] =	sst s0  }
0x9: {  	[smem:$0x3FB0] =	sst s1  }
0xa: {  	[smem:$0x3FB1] =	sst s2  }
0xb: {  	[smem:$0x3FB2] =	sst s3  }
0xc: {  	[smem:$0x3FB3] =	sst s4  }
0xd: {  	[smem:$0x3FB4] =	sst s5  }
0xe: {  	[smem:$0x3FB5] =	sst s6  }
0xf: {  	[smem:$0x3FB6] =	sst s7  }
0x10: {  	[smem:$0x3FB7] =	sst s8  }
0x11: {  	[smem:$0x3FB8] =	sst s9;
	s0 =	simm.s32 @!p0 $0x0  }
0x12: {  	s1 =	sld [smem:$0x3F9E];
	s0 =	simm.s32 @p0 $0x1  }
0x13: {  	[smem:$0x3FB9] =	sst s0;
	s0 =	simm.s32 @!p1 $0x0  }
0x14: {  	s2 =	sld [smem:$0x3F9D];
	s0 =	simm.s32 @p1 $0x1  }
0x15: {  	[smem:$0x3FBA] =	sst s0;
	s0 =	simm.s32 @!p2 $0x0  }
0x16: {  	s3 =	sld [smem:$0x3FDB];
	s0 =	simm.s32 @p2 $0x1  }
0x17: {  	s4 =	simm.s32 $0x1BF5;
	[smem:$0x3FBC] =	sst s0  }
0x18: {  	s0 =	sld [smem:$0x3F9F];
	_ =	swait.ge [sflag:s4], $0x0  }
0x19: {  	s7 =	sld [smem:$0x3FA0]  }
0x1a: {  	s8 =	sadd.s32 $0xFFFFE003, lr  }
0x1b: {  	s9 =	sadd.s32 $0xFFFFFEF7, lr;
	s5 =	simm.s32 $0xFFFFFFFF;
	p2 =	slt.u32 s8, $0xFFFFF086  }
0x1c: {  	p1 =	slt.u32 s9, $0xF7A;
	s5 =	simm.s32 @!p2 $0x0  }
0x1d: {  	s5 =	simm.s32 @p1 $0x1;
	p0 =	seq.s32 s7, s2  }
0x1e: {  	s7 =	smul.u32 @!p0 $0xF7A, s2;
	p2 =	seq.s32 @!p0 s5, $0x0  }
0x1f: {  	s9 =	smul.u32 $0xF7A, s1;
	s8 =	simm.s32 @!p0 $0x1BF5;
	p2 =	por !p2, p0  }
0x20: {  	[sflag:s8] =	ssyncset.s32 @!p0 $0xFFFFF086;
	s6 =	sadd.s32 @!p0 s3, s7;
	s7 =	simm.s32 @!p0 $0x108  }
0x21: {  	s3 =	sadd.s32 s3, s9;
	s6 =	sadd.s32 @!p0 $0x88, s6;
	s7 =	simm.s32 @p2 $0x1082  }
0x22: {  	[simem:s7], [sflag:s8] =	dma.local @!p0 [hbm:s6], $0xF7A  }
0x23: {  	s9 =	sor.u32 $0xD0000000, s2;
	s6 =	simm.s32 $0x108;
	_ =	swait.ge @!p0 [sflag:s8], $0x0  }
0x24: {  	s3 =	sadd.s32 $0x88, s3;
	s6 =	simm.s32 @!p1 $0x1082;
	[sflag:s4] =	ssyncset.s32 $0xFFFFF086  }
0x25: {  	[simem:s6], [sflag:s4] =	dma.local [hbm:s3], $0xF7A  }
0x26: {  	[smem:$0x3FA0] =	sst s1;
	(tag) =	ssettag s2;
	_ =	strace s9  }
0x27: {  	s1 =	sld [smem:$0x3FB0]  }
0x28: {  	s2 =	sld [smem:$0x3FB1]  }
0x29: {  	s4 =	sld [smem:$0x3FB3]  }
0x2a: {  	p0 =	seq.s32 s5, $0x0;
	s5 =	sld [smem:$0x3FB4]  }
0x2b: {  	s6 =	sld [smem:$0x3FB5]  }
0x2c: {  	s7 =	sld [smem:$0x3FB6]  }
0x2d: {  	s3 =	simm.s32 $0x108;
	s8 =	sld [smem:$0x3FB7]  }
0x2e: {  	s3 =	simm.s32 @!p0 $0x1082;
	s9 =	sld [smem:$0x3FB8]  }
0x2f: {  	lr =	sadd.s32 s0, s3;
	s0 =	sld [smem:$0x3FAF]  }
0x30: {  	s3 =	sld [smem:$0x3FB2]  }
0x31: {  	[smem:$0x3FBB] =	sst s10  }
0x32: {  	s10 =	sld [smem:$0x3FB9];
	_ =	sdelay $0x3  }
0x33: {  	p0 =	seq.s32 s10, $0x1;
	s10 =	sld [smem:$0x3FBB];
	_ =	sdelay $0x3  }
0x34: {  	[smem:$0x3FBB] =	sst s10  }
0x35: {  	s10 =	sld [smem:$0x3FBA];
	_ =	sdelay $0x3  }
0x36: {  	p1 =	seq.s32 s10, $0x1;
	s10 =	sld [smem:$0x3FBB];
	_ =	sdelay $0x3  }
0x37: {  	[smem:$0x3FBB] =	sst s10  }
0x38: {  	s10 =	sld [smem:$0x3FBC]  }
0x39: {  	_ = 	snop;
	(pc) =	sbr.ind lr, $3  }
0x3a: {  	_ = 	snop  }
0x3b: {  	_ = 	snop  }
0x3c: {  	p2 =	seq.s32 s10, $0x1;
	s10 =	sld [smem:$0x3FBB]  }
0x3d: {  	_ =	shalt  }
0x3e: {  	_ =	shalt  }
0x3f: {  	_ =	shalt  }
0x40: {  	_ =	shalt  }
0x41: {  	_ =	shalt  }
0x42: {  	_ =	shalt  }
0x43: {  	_ =	shalt  }
0x44: {  	_ =	shalt  }
0x45: {  	_ =	shalt  }
0x46: {  	_ =	shalt  }
0x47: {  	_ =	shalt  }
0x48: {  	_ =	shalt  }
0x49: {  	_ =	shalt  }
0x4a: {  	_ =	shalt  }
0x4b: {  	_ =	shalt  }
0x4c: {  	_ =	shalt  }
0x4d: {  	_ =	shalt  }
0x4e: {  	_ =	shalt  }
0x4f: {  	_ =	shalt  }
0x50: {  	_ =	shalt  }
0x51: {  	_ =	shalt  }
0x52: {  	_ =	shalt  }
0x53: {  	_ =	shalt  }
0x54: {  	_ =	shalt  }
0x55: {  	_ =	shalt  }
0x56: {  	_ =	shalt  }
0x57: {  	_ =	shalt  }
0x58: {  	_ =	shalt  }
0x59: {  	_ =	shalt  }
0x5a: {  	_ =	shalt  }
0x5b: {  	_ =	shalt  }
0x5c: {  	_ =	shalt  }
0x5d: {  	_ =	shalt  }
0x5e: {  	_ =	shalt  }
0x5f: {  	_ =	shalt  }
0x60: {  	_ =	shalt  }
0x61: {  	_ =	shalt  }
0x62: {  	_ =	shalt  }
0x63: {  	_ =	shalt  }
0x64: {  	_ =	shalt  }
0x65: {  	_ =	shalt  }
0x66: {  	_ =	shalt  }
0x67: {  	_ =	shalt  }
0x68: {  	_ =	shalt  }
0x69: {  	_ =	shalt  }
0x6a: {  	_ =	shalt  }
0x6b: {  	_ =	shalt  }
0x6c: {  	_ =	shalt  }
0x6d: {  	_ =	shalt  }
0x6e: {  	_ =	shalt  }
0x6f: {  	_ =	shalt  }
0x70: {  	_ =	shalt  }
0x71: {  	_ =	shalt  }
0x72: {  	_ =	shalt  }
0x73: {  	_ =	shalt  }
0x74: {  	_ =	shalt  }
0x75: {  	_ =	shalt  }
0x76: {  	_ =	shalt  }
0x77: {  	_ =	shalt  }
0x78: {  	_ =	shalt  }
0x79: {  	_ =	shalt  }
0x7a: {  	_ =	shalt  }
0x7b: {  	_ =	shalt  }
0x7c: {  	_ =	shalt  }
0x7d: {  	_ =	shalt  }
0x7e: {  	_ =	shalt  }
0x7f: {  	_ =	shalt  }
0x80: {  	_ =	shalt  }
0x81: {  	_ =	shalt  }
0x82: {  	_ =	shalt  }
0x83: {  	_ =	shalt  }
0x84: {  	_ =	shalt  }
0x85: {  	_ =	shalt  }
0x86: {  	_ =	shalt  }
0x87: {  	_ =	shalt  }
.Lfunc_end0:
.L_simem_size_0:
called_computation_lowered:
.L_overlay_start_0:
0x88: {  	s0 =	sld [smem:$0x3FD9]  }
0x89: {  	s1 =	sld [smem:$0x3FFE];
	_ =	sdelay $0x3  }
0x8a: {  	s0 =	sadd.s32 s1, s0  }
0x8b: {  	[smem:$0x3FC7] =	sst s0  }
0x8c: {  	_ = 	snop  }
0x8d: {  	s0 =	sld [smem:$0x3FC9]  }
0x8e: {  	s17 =	sld [smem:$0x3FD0];
	(tm) =	ssettm $0x1  }
0x8f: {  	s2 =	sld [smem:$0x3FFB];
	_ =	sdelay $0x3  }
0x90: {  	_ =	strace s2  }
0x91: {  	s2 =	sld [smem:$0x3FFC];
	_ =	sdelay $0x3  }
0x92: {  	_ =	strace s2  }
0x93: {  	s2 =	sld [smem:$0x3FFD];
	_ =	sdelay $0x3  }
0x94: {  	_ =	strace s2  }
0x95: {  	_ =	strace $0x8FFFFFFF  }
0x96: {  	s18 =	sld [smem:$0x3FDB];
	_ =	sdelay $0x1  }
0x97: {  	s3 =	simm.s32 $_scs_section_size  }
0x98: {  	s4 =	simm.s32 $_size__tile_overlayer_lowered;
	s5 =	simm.s32 $_tile_overlayer_lowered  }
0x99: {  	s21 =	simm.s32 $0x1BFF;
	s20 =	sshll.u32 s5, $0x1;
	s2 =	sadd.s32 s3, s18  }
0x9a: {  	s6 =	simm.s32 $0x0;
	s19 =	sshll.u32 s4, $0x1;
	s4 =	sadd.s32 s20, s2  }
0x9b: {  	[timem:s6], [sflag:s21] =	dma.local [hbm:s4], s19  }
0x9c: {  	_ =	swait.ge [sflag:s21], s19  }
0x9d: {  	s3 =	ssub.s32 $0x0, s19;
	[sflag:s21] =	ssyncset.done $0x0  }
0x9e: {  	[sflag:s21] =	ssyncadd.s32 s3;
	_ =	sdelay $0x1  }
0x9f: {  	s22 =	simm.s32 $0x1B8B  }
0xa0: {  	_ =	swait.ge [sflag:s22], $0x1  }
0xa1: {  	[sflag:s22] =	ssyncset.done $0x0  }
0xa2: {  	s23 =	simm.s32 $0x1B8E;
	[sflag:s22] =	ssyncadd.s32 $0xFFFFFFFF  }
0xa3: {  	s24 =	simm.s32 $execute0_lowered;
	[smem:$0x3FD2] =	sst s23  }
0xa4: {  	s3 =	sshll.u32 s24, $0x1;
	_ =	strace $0x80000046;
	[dreg:$0x1] =	wrdreg $0xFFFFFFFF  }
0xa5: {  	s25 =	simm.s32 $_size_execute0_lowered;
	s2 =	sadd.s32 s2, s3;
	[dreg:$0x0] =	wrdreg $0x0  }
0xa6: {  	s3 =	sshll.u32 s25, $0x1;
	[dreg:$0x2] =	wrdreg s2  }
0xa7: {  	[dreg:$0x3] =	wrdreg s3  }
0xa8: {  	[dreg:$0x4] =	wrdreg $0xC0  }
0xa9: {  	_ =	task [dreg:s6], $0x5FFFF  }
0xaa: {  	[dreg:$0x1] =	wrdreg $0xFFFFFFFF  }
0xab: {  	[dreg:$0x0] =	wrdreg $0x60  }
0xac: {  	[dreg:$0x2] =	wrdreg s0  }
0xad: {  	[dreg:$0x3] =	wrdreg s17  }
0xae: {  	[dreg:$0x4] =	wrdreg $0x9  }
0xaf: {  	_ =	task.clear_ibuf [dreg:s6], $0x5FFFF;
	_ =	strace $0x90000046  }
0xb0: {  	s26 =	simm.s32 $0x9;
	_ =	strace $0x80000048  }
0xb1: {  	_ =	swait.ge [sflag:s26], $0x1  }
0xb2: {  	[sflag:s26] =	ssyncadd.s32 $0xFFFFFFFF  }
0xb3: {  	_ =	strace $0x90000048  }
0xb4: {  	_ =	sfence  }
0xb5: {  	s28 =	sld [smem:$0x0];
	_ =	sdelay $0x1  }
0xb6: {  	s29 =	srdreg.scid  }
0xb7: {  	s30 =	sshll.u32 s29, $0xD;
	s31 =	sshrl.u32 s29, $0x2  }
0xb8: {  	s1 =	sand.u32 $0x1, s29;
	s2 =	sand.u32 $0x4000, s30;
	s0 =	sadd.s32 s31, s28  }
0xb9: {  	s1 =	sor.u32 s2, s1;
	s0 =	sshll.u32 s0, $0x11  }
0xba: {  	s0 =	sor.u32 s0, s1  }
0xbb: {  	s0 =	sadd.s32 $0x8F2B, s0  }
0xbc: {  	[sflag:s0] =	ssyncadd.remote.s32 $0x1  }
0xbd: {  	_ =	sfence.sel $0xFFFF  }
0xbe: {  	[dreg:$0x0] =	wrdreg $0xFFFFFFFF;
	(pc) =	sbr.abs _section_cstart, $3  }
0xbf: {  	[dreg:$0x1] =	wrdreg $0xFFFFFFFF  }
0xc0: {  	_ =	task.clear_ibuf [dreg:s6], $0x2FFFF;
	_ =	strace $0x9FFFFFFF  }
0xc1: {  	(tm) =	ssettm $0x7FFFFFFF  }
tec
execute0_lowered:
.L_overlay_start_1:
0x0: {  	(tag) =	ssettag $0x1  }
0x1: {  	v0 =	vimm.s32 $0x28770  }
0x2: {  	vm14 =	vcmask $0x300;
	vm13 =	vcmask $0x704;
	v1 =	vimm.s32 $0x50F70  }
0x3: {  	vm12 =	vcmask $0xB08;
	vm5 =	vcmask $0xF0C;
	vm6 =	vcmask $0x1310  }
0x4: {  	vm7 =	vcmask $0x1714;
	vm8 =	vcmask $0x1B18;
	vm9 =	vcmask $0x1F1C  }
0x5: {  	vm10 =	vcmask $0x2320;
	vm11 =	vcmask $0x2724;
	vm4 =	vcmask $0x2B28  }
0x6: {  	vm3 =	vcmask $0x2F2C;
	vm1 =	vcmask $0x3330;
	vm0 =	vcmask $0x3734  }
0x7: {  	vm2 =	vcmask $0x3B38;
	v2 =	vimm.s32 $0x79770;
	v3 =	vimm.s32 $0xA1F70  }
0x8: {  	v4 =	vimm.s32 $0xCA770;
	v5 =	vimm.s32 $0xF2F70;
	v6 =	vimm.s32 $0x11B770  }
0x9: {  	v7 =	vimm.s32 $0x143F70;
	v0 =	vsel vm14, $0x4180, v0;
	v1 =	vsel vm14, $0x2C980, v1  }
0xa: {  	v2 =	vsel vm14, $0x55180, v2;
	v3 =	vsel vm14, $0x7D980, v3;
	v4 =	vsel vm14, $0xA6180, v4  }
0xb: {  	v5 =	vsel vm14, $0xCE980, v5;
	v6 =	vsel vm14, $0xF7180, v6;
	v7 =	vsel vm14, $0x11F980, v7  }
0xc: {  	v0 =	vsel vm13, $0x8010, v0;
	v1 =	vsel vm13, $0x30810, v1;
	v2 =	vsel vm13, $0x59010, v2  }
0xd: {  	v3 =	vsel vm13, $0x81810, v3;
	v4 =	vsel vm13, $0xAA010, v4;
	v5 =	vsel vm13, $0xD2810, v5  }
0xe: {  	v6 =	vsel vm13, $0xFB010, v6;
	v7 =	vsel vm13, $0x123810, v7;
	v0 =	vsel vm12, $0x82A0, v0  }
0xf: {  	v1 =	vsel vm12, $0x30AA0, v1;
	v2 =	vsel vm12, $0x592A0, v2;
	v3 =	vsel vm12, $0x81AA0, v3  }
0x10: {  	v4 =	vsel vm12, $0xAA2A0, v4;
	v5 =	vsel vm12, $0xD2AA0, v5;
	v6 =	vsel vm12, $0xFB2A0, v6  }
0x11: {  	v7 =	vsel vm12, $0x123AA0, v7;
	v0 =	vsel vm5, $0xC130, v0;
	v1 =	vsel vm5, $0x34930, v1  }
0x12: {  	v2 =	vsel vm5, $0x5D130, v2;
	v3 =	vsel vm5, $0x85930, v3;
	v4 =	vsel vm5, $0xAE130, v4  }
0x13: {  	v5 =	vsel vm5, $0xD6930, v5;
	v6 =	vsel vm5, $0xFF130, v6;
	v7 =	vsel vm5, $0x127930, v7  }
0x14: {  	v0 =	vsel vm6, $0xC3C0, v0;
	v1 =	vsel vm6, $0x34BC0, v1;
	v2 =	vsel vm6, $0x5D3C0, v2  }
0x15: {  	v3 =	vsel vm6, $0x85BC0, v3;
	v4 =	vsel vm6, $0xAE3C0, v4;
	v5 =	vsel vm6, $0xD6BC0, v5  }
0x16: {  	v6 =	vsel vm6, $0xFF3C0, v6;
	v7 =	vsel vm6, $0x127BC0, v7;
	v0 =	vsel vm7, $0x10250, v0  }
0x17: {  	v1 =	vsel vm7, $0x38A50, v1;
	v2 =	vsel vm7, $0x61250, v2;
	v3 =	vsel vm7, $0x89A50, v3  }
0x18: {  	v4 =	vsel vm7, $0xB2250, v4;
	v5 =	vsel vm7, $0xDAA50, v5;
	v6 =	vsel vm7, $0x103250, v6  }
0x19: {  	v7 =	vsel vm7, $0x12BA50, v7;
	v0 =	vsel vm8, $0x140E0, v0;
	v1 =	vsel vm8, $0x3C8E0, v1  }
0x1a: {  	v2 =	vsel vm8, $0x650E0, v2;
	v3 =	vsel vm8, $0x8D8E0, v3;
	v4 =	vsel vm8, $0xB60E0, v4  }
0x1b: {  	v5 =	vsel vm8, $0xDE8E0, v5;
	v6 =	vsel vm8, $0x1070E0, v6;
	v7 =	vsel vm8, $0x12F8E0, v7  }
0x1c: {  	v0 =	vsel vm9, $0x14370, v0;
	v1 =	vsel vm9, $0x3CB70, v1;
	v2 =	vsel vm9, $0x65370, v2  }
0x1d: {  	v3 =	vsel vm9, $0x8DB70, v3;
	v4 =	vsel vm9, $0xB6370, v4;
	v5 =	vsel vm9, $0xDEB70, v5  }
0x1e: {  	v6 =	vsel vm9, $0x107370, v6;
	v7 =	vsel vm9, $0x12FB70, v7;
	v0 =	vsel vm10, $0x18580, v0  }
0x1f: {  	v1 =	vsel vm10, $0x40D80, v1;
	v2 =	vsel vm10, $0x69580, v2;
	v3 =	vsel vm10, $0x91D80, v3  }
0x20: {  	v4 =	vsel vm10, $0xBA580, v4;
	v5 =	vsel vm10, $0xE2D80, v5;
	v6 =	vsel vm10, $0x10B580, v6  }
0x21: {  	v7 =	vsel vm10, $0x133D80, v7;
	v0 =	vsel vm11, $0x1C410, v0;
	v1 =	vsel vm11, $0x44C10, v1  }
0x22: {  	v2 =	vsel vm11, $0x6D410, v2;
	v3 =	vsel vm11, $0x95C10, v3;
	v4 =	vsel vm11, $0xBE410, v4  }
0x23: {  	v5 =	vsel vm11, $0xE6C10, v5;
	v6 =	vsel vm11, $0x10F410, v6;
	v7 =	vsel vm11, $0x137C10, v7  }
0x24: {  	v0 =	vsel vm4, $0x1C6A0, v0;
	v1 =	vsel vm4, $0x44EA0, v1;
	v2 =	vsel vm4, $0x6D6A0, v2  }
0x25: {  	v3 =	vsel vm4, $0x95EA0, v3;
	v4 =	vsel vm4, $0xBE6A0, v4;
	v5 =	vsel vm4, $0xE6EA0, v5  }
0x26: {  	v6 =	vsel vm4, $0x10F6A0, v6;
	v59 =	vsel vm4, $0x137EA0, v7;
	v0 =	vsel vm3, $0x20530, v0  }
0x27: {  	v1 =	vsel vm3, $0x48D30, v1;
	v2 =	vsel vm3, $0x71530, v2;
	v3 =	vsel vm3, $0x99D30, v3  }
0x28: {  	v4 =	vsel vm3, $0xC2530, v4;
	v5 =	vsel vm3, $0xEAD30, v5;
	v58 =	vsel vm3, $0x113530, v6  }
0x29: {  	v61 =	vsel vm3, $0x13BD30, v59;
	v0 =	vsel vm1, $0x207C0, v0;
	v1 =	vsel vm1, $0x48FC0, v1  }
0x2a: {  	v2 =	vsel vm1, $0x717C0, v2;
	v3 =	vsel vm1, $0x99FC0, v3;
	v4 =	vsel vm1, $0xC27C0, v4  }
0x2b: {  	s0 =	stileid.u32;
	s4 =	rddreg [dreg:$0x0];
	v57 =	vsel vm1, $0xEAFC0, v5;
	v60 =	vsel vm1, $0x1137C0, v58;
	v0 =	vsel vm0, $0x24650, v0  }
0x2c: {  	s3 =	rddreg [dreg:$0x1];
	s5 =	simm.s32 $0x0;
	s1 =	sshll.u32 s0, $0x16;
	v62 =	vsel vm1, $0x13BFC0, v61;
	v1 =	vsel vm0, $0x4CE50, v1;
	v0 =	vsel vm2, $0x284E0, v0  }
0x2d: {  	[smem:$0x7FF] =	sst s5;
	v2 =	vsel vm0, $0x75650, v2;
	v1 =	vsel vm2, $0x50CE0, v1;
	v0 =	vor.u32 s1, v0  }
0x2e: {  	s2 =	rddreg [dreg:$0x2];
	_ =	strace $0x80000047;
	v3 =	vsel vm0, $0x9DE50, v3;
	v2 =	vsel vm2, $0x794E0, v2;
	v1 =	vor.u32 s1, v1;
	[tilespmem:$0x0] =	vst v0  }
0x2f: {  	v4 =	vsel vm0, $0xC6650, v4;
	v3 =	vsel vm2, $0xA1CE0, v3;
	v2 =	vor.u32 s1, v2;
	[tilespmem:$0x10] =	vst v1  }
0x30: {  	v4 =	vsel vm2, $0xCA4E0, v4;
	v3 =	vor.u32 s1, v3;
	v0 =	vsel vm0, $0xEEE50, v57;
	[tilespmem:$0x20] =	vst v2  }
0x31: {  	v4 =	vor.u32 s1, v4;
	v1 =	vsel vm0, $0x117650, v60;
	[tilespmem:$0x30] =	vst v3;
	v0 =	vsel vm2, $0xF2CE0, v0  }
0x32: {  	v2 =	vsel vm0, $0x13FE50, v62;
	[tilespmem:$0x40] =	vst v4;
	v1 =	vsel vm2, $0x11B4E0, v1;
	v0 =	vor.u32 s1, v0  }
0x33: {  	v2 =	vsel vm2, $0x143CE0, v2;
	v1 =	vor.u32 s1, v1;
	[tilespmem:$0x50] =	vst v0  }
0x34: {  	v63 =	vor.u32 s1, v2;
	[tilespmem:$0x60] =	vst v1  }
0x35: {  	s29 =	simm.s32 $0x80;
	s30 =	simm.s32 $0x1;
	[tilespmem:$0x70] =	vst v63  }
0x36: {  	[tilespmem:s29], [sflag:$0x1] =	stream.indirect.gather [hbm4b:s4+s29], $0x1, s5, s29, $0xb8;
	[tilespmem:$0x100] =	vst v63  }
0x37: {  	_ =	swait.ge [sflag:s30], $0x80  }
0x38: {  	s6 =	sshll.u32 s0, $0x4;
	[sflag:s30] =	ssyncset.done $0x0  }
0x39: {  	s31 =	simm.s32 $0x2;
	s3 =	sadd.s32 s3, s6;
	[sflag:s30] =	ssyncadd.s32 $0xFFFFFF80  }
0x3a: {  	[hbm4b:s3+s5] =	stream.linear.scatter [tilespmem:s29], [sflag:$0x2], $0x80, $0x38;
	[tilespmem:$0x100] =	vst v63  }
0x3b: {  	_ =	swait.ge [sflag:s31], $0x80  }
0x3c: {  	[sflag:s31] =	ssyncset.done $0x0  }
0x3d: {  	[sflag:s31] =	ssyncadd.s32 $0xFFFFFF80  }
0x3e: {  	_ =	sfence.sel $0x180000  }
0x3f: {  	[bflag:$0x0] =	sbarrier.arrive $0xFFFF  }
0x40: {  	p0 =	sne.s32 s0, $0x0;
	_ =	strace $0x90000047  }
0x41: {  	s0 =	sadd.s32 @!p0 $0x100000, s2;
	[bflag:$0x2] =	sbarrier.arrive $0xFFFF  }
0x42: {  	[sflag:s0] =	ssyncadd.tile.s32 @!p0 $0x1;
	_ =	shalt  }
.Lfunc_end2:
_tile_overlayer_lowered:
.L_overlay_start_2:
0x43: {  	(tag) =	ssettag $0x2  }
0x44: {  	s0 =	rddreg [dreg:$0x0];
	s2 =	stileid.u32  }
0x45: {  	s1 =	rddreg [dreg:$0x1];
	p0 =	sne.s32 s2, $0x0  }
0x46: {  	s3 =	rddreg [dreg:$0x2];
	[bflag:$0x3] =	sbarrier.arrive $0xFFFF;
	s2 =	simm.s32 @!p0 $0x1C02  }
0x47: {  	[timem:s3], [sflag:s2] =	dma.local @!p0 [hbm:s0], s1  }
0x48: {  	s0 =	simm.s32 @!p0 $0x2  }
0x49: {  	_ =	swait.ge @!p0 [sflag:s0], s1  }
0x4a: {  	s1 =	ssub.s32 @!p0 $0x0, s1;
	[sflag:s0] =	ssyncset.done @!p0 $0x0  }
0x4b: {  	[sflag:s0] =	ssyncadd.s32 @!p0 s1  }
0x4c: {  	[bflag:$0x3] =	sbarrier.arrive $0xFFFF  }
0x4d: {  	_ =	shalt  }

</sc_bundles>
